<compile_context>
chip_gen: v7x
topology: tpu7x:2x2x1
jax: 0.10.2.dev20260603
libtpu: 0.0.44.dev20260713+nightly
codegen_flags: <defaults>
</compile_context>

<pallas_src>
import functools

import jax
import jax.numpy as jnp
from jax import lax
from jax.experimental import pallas as pl
from jax.experimental.pallas import tpu as pltpu
from jax.experimental.pallas import tpu_sc as plsc


def _pick_block(total, candidates):
    for c in candidates:
        if total % c == 0:
            return c
    return total


def _edge_body(rpt_ref, eat_ref, w1_ref, w12_ref, bcat_ref, w2_ref, b2_ref, out_ref):
    dn = (((0,), (0,)), ((), ()))
    cat = jnp.concatenate([eat_ref[...], rpt_ref[...]], axis=0)
    wcat = jnp.concatenate([w12_ref[...], w1_ref[...]], axis=0)
    x = jax.lax.dot_general(cat, wcat, dn, preferred_element_type=jnp.float32)
    x = jnp.maximum(x + bcat_ref[...], 0.0)
    y = jnp.dot(x, w2_ref[...], preferred_element_type=jnp.float32) + b2_ref[...]
    out_ref[...] = jnp.maximum(y, 0.0)


def _full(shape):
    return pl.BlockSpec(shape, lambda i: (0,) * len(shape))


def _table_body(t1_ref, t2_ref, wl_ref, bl_ref, w2_ref, b2_ref, h_ref):
    c = jax.lax.broadcasted_iota(jnp.int32, (256, 1), 0)
    zi = c // 3
    ti = c - 3 * zi
    ohz = (jax.lax.broadcasted_iota(jnp.int32, (256, 128), 1) == zi
           ).astype(jnp.float32)
    oht = (jax.lax.broadcasted_iota(jnp.int32, (256, 8), 1) == ti
           ).astype(jnp.float32)
    h0 = (jnp.dot(ohz, t1_ref[...], preferred_element_type=jnp.float32)
          + jnp.dot(oht, t2_ref[...], preferred_element_type=jnp.float32))
    h1 = jnp.maximum(
        jnp.dot(h0, wl_ref[...], preferred_element_type=jnp.float32)
        + bl_ref[...], 0.0)
    h_ref[...] = jnp.maximum(
        jnp.dot(h1, w2_ref[...], preferred_element_type=jnp.float32)
        + b2_ref[...], 0.0)


_CHUNK = 160


def _sc_gather(table, z, tag, n):
    hc = table.shape[1]
    n_chunks = n // _CHUNK
    info = plsc.get_sparse_core_info()
    nc, ns = info.num_cores, info.num_subcores
    nw = nc * ns
    max_trips = -(-n_chunks // nw)
    mesh = plsc.VectorSubcoreMesh(core_axis_name="c", subcore_axis_name="s")

    @functools.partial(
        pl.kernel, mesh=mesh,
        out_type=jax.ShapeDtypeStruct((n, hc), jnp.float32),
        scratch_types=[
            pltpu.VMEM((_CHUNK,), jnp.int32),
            pltpu.VMEM((_CHUNK,), jnp.int32),
            pltpu.VMEM((_CHUNK,), jnp.int32),
            pltpu.VMEM((_CHUNK, hc), jnp.float32),
            pltpu.SemaphoreType.DMA,
        ],
    )
    def k(table_hbm, z_hbm, tag_hbm, out_hbm, z_v, t_v, idx_v, rows_v, sem):
        wid = lax.axis_index("s") * nc + lax.axis_index("c")

        def body(t, _):
            chunk = wid + t * nw

            @pl.when(chunk < n_chunks)
            def _():
                base = chunk * _CHUNK
                pltpu.sync_copy(z_hbm.at[pl.ds(base, _CHUNK)], z_v)
                pltpu.sync_copy(tag_hbm.at[pl.ds(base, _CHUNK)], t_v)
                for i in range(_CHUNK // 16):
                    s = pl.ds(i * 16, 16)
                    idx_v[s] = z_v[s] * 3 + t_v[s]
                pltpu.async_copy(table_hbm.at[idx_v], rows_v, sem).wait()
                pltpu.sync_copy(rows_v, out_hbm.at[pl.ds(base, _CHUNK)])

            return None

        lax.fori_loop(0, max_trips, body, None)

    return k(table, z, tag)


def kernel(z, rel_pos, edge_attr, tag, emb_table, tag_table,
           W_e1, b_e1, W_e12, b_e12, W_e2, b_e2,
           W_lin, b_lin, W_lin2, b_lin2):
    E, _ = rel_pos.shape
    NG = edge_attr.shape[1]
    N = z.shape[0]
    EMB = emb_table.shape[1]
    TH = tag_table.shape[1]
    HC = W_lin.shape[1]
    NF = W_e2.shape[1]
    NFH = W_e1.shape[1]

    EB = _pick_block(E, (32000, 16000, 6400, 3200, 1280, 640, 128))
    w12p = jnp.zeros((NG, NF), jnp.float32).at[:, NFH:].set(W_e12)
    w1p = jnp.zeros((3, NF), jnp.float32).at[:, :NFH].set(W_e1)
    bcat = jnp.concatenate([b_e1, b_e12]).reshape(1, NF)

    e = pl.pallas_call(
        _edge_body,
        grid=(E // EB,),
        in_specs=[
            pl.BlockSpec((3, EB), lambda i: (0, i)),
            pl.BlockSpec((NG, EB), lambda i: (0, i)),
            _full((3, NF)), _full((NG, NF)), _full((1, NF)),
            _full((NF, NF)), _full((1, NF)),
        ],
        out_specs=pl.BlockSpec((EB, NF), lambda i: (i, 0)),
        out_shape=jax.ShapeDtypeStruct((E, NF), jnp.float32),
        compiler_params=pltpu.CompilerParams(
            dimension_semantics=("arbitrary",),
            vmem_limit_bytes=120 * 1024 * 1024,
            fuse_transposed_lhs_in_matmul=True),
    )(rel_pos.T, edge_attr.T, w1p, w12p, bcat, W_e2, b_e2.reshape(1, NF))

    t1p = jnp.zeros((128, HC), jnp.float32).at[:emb_table.shape[0], :EMB].set(emb_table)
    t2p = jnp.zeros((8, HC), jnp.float32).at[:tag_table.shape[0], EMB:].set(tag_table)

    table = pl.pallas_call(
        _table_body,
        out_shape=jax.ShapeDtypeStruct((256, HC), jnp.float32),
    )(t1p, t2p, W_lin, b_lin.reshape(1, HC), W_lin2, b_lin2.reshape(1, HC))

    h = _sc_gather(table, z.astype(jnp.int32), tag.astype(jnp.int32), N)

    return (h, e)

# --- scband reference (transcript-rebuilt; emitter-appended) ---
"""Pipeline reference for scband-embedding-block-3736621547804 (READ-ONLY COPY).

The authoritative reference and input builder live on the scoring server;
editing this copy changes nothing except your own understanding.
"""

import jax, jax.numpy as jnp
import numpy as np

N = 100000
E = 1600000
NG = 50
NF = 128
HC = 256
TH = 32
EMB_DIM = HC - TH  # 224; pg/phys channels are 0 in this config
NF_HALF = NF // 2  # 64


def _act(x):
    return jnp.maximum(x, 0.0)  # relu


def setup_inputs(seed: int = 0) -> dict:
    key = jax.random.key(seed)
    ks = jax.random.split(key, 16)
    z = jax.random.randint(ks[0], (N,), 0, 85)
    tag = jax.random.randint(ks[1], (N,), 0, 3)
    rel_pos = jax.random.normal(ks[2], (E, 3), dtype=jnp.float32)
    edge_attr = jax.random.normal(ks[3], (E, NG), dtype=jnp.float32)
    emb_table = jax.random.normal(ks[4], (85, EMB_DIM), dtype=jnp.float32)
    tag_table = jax.random.normal(ks[5], (3, TH), dtype=jnp.float32)
    W_e1 = jax.random.normal(ks[6], (3, NF_HALF), dtype=jnp.float32) * 0.3
    b_e1 = jnp.zeros((NF_HALF,), dtype=jnp.float32)
    W_e12 = jax.random.normal(ks[7], (NG, NF - NF_HALF), dtype=jnp.float32) * 0.1
    b_e12 = jnp.zeros((NF - NF_HALF,), dtype=jnp.float32)
    W_e2 = jax.random.normal(ks[8], (NF, NF), dtype=jnp.float32) * 0.08
    b_e2 = jnp.zeros((NF,), dtype=jnp.float32)
    W_lin = jax.random.normal(ks[9], (HC, HC), dtype=jnp.float32) * 0.06
    b_lin = jnp.zeros((HC,), dtype=jnp.float32)
    W_lin2 = jax.random.normal(ks[10], (HC, HC), dtype=jnp.float32) * 0.06
    b_lin2 = jnp.zeros((HC,), dtype=jnp.float32)
    return {
        'z': z, 'rel_pos': rel_pos, 'edge_attr': edge_attr, 'tag': tag,
        'emb_table': emb_table, 'tag_table': tag_table,
        'W_e1': W_e1, 'b_e1': b_e1, 'W_e12': W_e12, 'b_e12': b_e12,
        'W_e2': W_e2, 'b_e2': b_e2, 'W_lin': W_lin, 'b_lin': b_lin,
        'W_lin2': W_lin2, 'b_lin2': b_lin2,
    }


def reference(z, rel_pos, edge_attr, tag, emb_table, tag_table,
              W_e1, b_e1, W_e12, b_e12, W_e2, b_e2,
              W_lin, b_lin, W_lin2, b_lin2):
    # edge_embed_type == 'all_rij'
    rp = rel_pos @ W_e1 + b_e1                     # [E, 64]
    ea = edge_attr @ W_e12 + b_e12                 # [E, 64]
    e = jnp.concatenate((rp, ea), axis=1)          # [E, 128]
    e = _act(e)
    # second_layer_MLP
    e = _act(e @ W_e2 + b_e2)
    # node embedding lookup
    h = jnp.take(emb_table, z, axis=0)             # [N, 224]
    # tag embedding (use_tag)
    h_tag = jnp.take(tag_table, tag, axis=0)       # [N, 32]
    h = jnp.concatenate((h, h_tag), axis=1)        # [N, 256]
    # phys/pg/positional branches disabled in this config
    h = _act(h @ W_lin + b_lin)
    h = _act(h @ W_lin2 + b_lin2)
    return (h, e)

if __name__ == "__main__":
    import jax
    _d = setup_inputs()
    print(jax.jit(kernel)(*tuple(_d.values())))

</pallas_src>

<mosaic_0001>
#map = affine_map<(d0, d1) -> (0, 0)>
#map1 = affine_map<(d0, d1) -> (0)>
module attributes {stable_mosaic.version = 14 : i64} {
  func.func @k(%arg0: i32, %arg1: i32, %arg2: memref<256x256xf32, #tpu.memory_space<hbm>>, %arg3: memref<100000xi32, #tpu.memory_space<hbm>>, %arg4: memref<100000xi32, #tpu.memory_space<hbm>>, %arg5: memref<100000x256xf32, #tpu.memory_space<hbm>>, %arg6: memref<160xi32, #tpu.memory_space<vmem>>, %arg7: memref<160xi32, #tpu.memory_space<vmem>>, %arg8: memref<160xi32, #tpu.memory_space<vmem>>, %arg9: memref<160x256xf32, #tpu.memory_space<vmem>>, %arg10: memref<!tpu.dma_semaphore, #tpu.memory_space<semaphore_mem>>) attributes {dimension_semantics = [#tpu.dimension_semantics<core_parallel>, #tpu.dimension_semantics<subcore_parallel>], iteration_bounds = array<i64: 2, 16>, scalar_prefetch = 0 : i64, scratch_operands = 5 : i64, tpu.core_type = #tpu.core_type<sc_vector_subcore>, window_params = [{transform_indices = #map}, {transform_indices = #map1}, {transform_indices = #map1}, {transform_indices = #map}]} {
    %mul3A = arith.constant 2 : i32
    %mul3A_0 = arith.muli %arg1, %mul3A : i32
    %add3A = arith.addi %mul3A_0, %arg0 : i32
    %scan3A = arith.constant 0 : i32
    %scan3A_1 = arith.constant 20 : i32
    %scan3A_2 = arith.addi %scan3A, %scan3A_1 : i32
    %scan3A_3 = arith.constant 1 : i32
    scf.for %scan3A_5 = %scan3A to %scan3A_2 step %scan3A_3  : i32 {
      %mul3A_6 = arith.constant 32 : i32
      %mul3A_7 = arith.muli %scan3A_5, %mul3A_6 : i32
      %add3A_8 = arith.addi %add3A, %mul3A_7 : i32
      %lt3A = arith.constant 625 : i32
      %lt3A_9 = arith.cmpi slt, %add3A_8, %lt3A : i32
      %convert_element_type3A = arith.extui %lt3A_9 : i1 to i32
      %cond3A = arith.constant 0 : i32
      %cond3A_10 = arith.cmpi ne, %convert_element_type3A, %cond3A : i32
      scf.if %cond3A_10 {
        %mul3A_11 = arith.constant 160 : i32
        %mul3A_12 = arith.muli %add3A_8, %mul3A_11 : i32
        "tpu.region"() ({
          %run_scoped3A = tpu.sem_alloc : memref<!tpu.dma_semaphore, #tpu.memory_space<semaphore_mem>>
          %dma_start3A_155 = tpu.memref_slice %arg3[%mul3A_12] : memref<100000xi32, #tpu.memory_space<hbm>> -> memref<160xi32, #tpu.memory_space<hbm>>
          %dma_start3A_156 = tpu.memref_slice %arg3[%mul3A_12] : memref<100000xi32, #tpu.memory_space<hbm>> -> memref<160xi32, #tpu.memory_space<hbm>>
          tpu.enqueue_dma source(%dma_start3A_156 : memref<160xi32, #tpu.memory_space<hbm>>) target(%arg6 : memref<160xi32, #tpu.memory_space<vmem>>) target_semaphore(%run_scoped3A : memref<!tpu.dma_semaphore, #tpu.memory_space<semaphore_mem>>)
          %dma_wait3A_157 = tpu.memref_slice %arg3[%mul3A_12] : memref<100000xi32, #tpu.memory_space<hbm>> -> memref<160xi32, #tpu.memory_space<hbm>>
          %dma_wait3A_158 = tpu.memref_slice %arg3[%mul3A_12] : memref<100000xi32, #tpu.memory_space<hbm>> -> memref<160xi32, #tpu.memory_space<hbm>>
          tpu.wait_dma2 semaphore(%run_scoped3A : memref<!tpu.dma_semaphore, #tpu.memory_space<semaphore_mem>>) src(%dma_wait3A_158 : memref<160xi32, #tpu.memory_space<hbm>>) dst(%arg6 : memref<160xi32, #tpu.memory_space<vmem>>)
          tpu.yield
        }) : () -> ()
        "tpu.region"() ({
          %run_scoped3A = tpu.sem_alloc : memref<!tpu.dma_semaphore, #tpu.memory_space<semaphore_mem>>
          %dma_start3A_155 = tpu.memref_slice %arg4[%mul3A_12] : memref<100000xi32, #tpu.memory_space<hbm>> -> memref<160xi32, #tpu.memory_space<hbm>>
          %dma_start3A_156 = tpu.memref_slice %arg4[%mul3A_12] : memref<100000xi32, #tpu.memory_space<hbm>> -> memref<160xi32, #tpu.memory_space<hbm>>
          tpu.enqueue_dma source(%dma_start3A_156 : memref<160xi32, #tpu.memory_space<hbm>>) target(%arg7 : memref<160xi32, #tpu.memory_space<vmem>>) target_semaphore(%run_scoped3A : memref<!tpu.dma_semaphore, #tpu.memory_space<semaphore_mem>>)
          %dma_wait3A_157 = tpu.memref_slice %arg4[%mul3A_12] : memref<100000xi32, #tpu.memory_space<hbm>> -> memref<160xi32, #tpu.memory_space<hbm>>
          %dma_wait3A_158 = tpu.memref_slice %arg4[%mul3A_12] : memref<100000xi32, #tpu.memory_space<hbm>> -> memref<160xi32, #tpu.memory_space<hbm>>
          tpu.wait_dma2 semaphore(%run_scoped3A : memref<!tpu.dma_semaphore, #tpu.memory_space<semaphore_mem>>) src(%dma_wait3A_158 : memref<160xi32, #tpu.memory_space<hbm>>) dst(%arg7 : memref<160xi32, #tpu.memory_space<vmem>>)
          tpu.yield
        }) : () -> ()
        %get3A = arith.constant 0 : index
        %get3A_13 = tpu.vector_load %arg6[%get3A] {strides = array<i32>} : memref<160xi32, #tpu.memory_space<vmem>>, vector<16xi32>,
        %get3A_14 = vector.shape_cast %get3A_13 : vector<16xi32> to vector<16xi32>
        %mul3A_15 = arith.constant 3 : i32
        %mul3A_16 = vector.broadcast %mul3A_15 : i32 to vector<16xi32>
        %mul3A_17 = arith.muli %get3A_14, %mul3A_16 : vector<16xi32>
        %get3A_18 = arith.constant 0 : index
        %get3A_19 = tpu.vector_load %arg7[%get3A_18] {strides = array<i32>} : memref<160xi32, #tpu.memory_space<vmem>>, vector<16xi32>,
        %get3A_20 = vector.shape_cast %get3A_19 : vector<16xi32> to vector<16xi32>
        %add3A_21 = arith.addi %mul3A_17, %get3A_20 : vector<16xi32>
        %swap3A = arith.constant 0 : index
        %swap3A_22 = tpu.vector_load %arg8[%swap3A] {strides = array<i32>} : memref<160xi32, #tpu.memory_space<vmem>>, vector<16xi32>,
        %swap3A_23 = vector.shape_cast %swap3A_22 : vector<16xi32> to vector<16xi32>
        %swap3A_24 = vector.shape_cast %add3A_21 : vector<16xi32> to vector<16xi32>
        tpu.vector_store %arg8[%swap3A], %swap3A_24 {strides = array<i32>} : memref<160xi32, #tpu.memory_space<vmem>>, vector<16xi32>,
        %get3A_25 = arith.constant 16 : index
        %get3A_26 = tpu.vector_load %arg6[%get3A_25] {strides = array<i32>} : memref<160xi32, #tpu.memory_space<vmem>>, vector<16xi32>,
        %get3A_27 = vector.shape_cast %get3A_26 : vector<16xi32> to vector<16xi32>
        %mul3A_28 = arith.constant 3 : i32
        %mul3A_29 = vector.broadcast %mul3A_28 : i32 to vector<16xi32>
        %mul3A_30 = arith.muli %get3A_27, %mul3A_29 : vector<16xi32>
        %get3A_31 = arith.constant 16 : index
        %get3A_32 = tpu.vector_load %arg7[%get3A_31] {strides = array<i32>} : memref<160xi32, #tpu.memory_space<vmem>>, vector<16xi32>,
        %get3A_33 = vector.shape_cast %get3A_32 : vector<16xi32> to vector<16xi32>
        %add3A_34 = arith.addi %mul3A_30, %get3A_33 : vector<16xi32>
        %swap3A_35 = arith.constant 16 : index
        %swap3A_36 = tpu.vector_load %arg8[%swap3A_35] {strides = array<i32>} : memref<160xi32, #tpu.memory_space<vmem>>, vector<16xi32>,
        %swap3A_37 = vector.shape_cast %swap3A_36 : vector<16xi32> to vector<16xi32>
        %swap3A_38 = vector.shape_cast %add3A_34 : vector<16xi32> to vector<16xi32>
        tpu.vector_store %arg8[%swap3A_35], %swap3A_38 {strides = array<i32>} : memref<160xi32, #tpu.memory_space<vmem>>, vector<16xi32>,
        %get3A_39 = arith.constant 32 : index
        %get3A_40 = tpu.vector_load %arg6[%get3A_39] {strides = array<i32>} : memref<160xi32, #tpu.memory_space<vmem>>, vector<16xi32>,
        %get3A_41 = vector.shape_cast %get3A_40 : vector<16xi32> to vector<16xi32>
        %mul3A_42 = arith.constant 3 : i32
        %mul3A_43 = vector.broadcast %mul3A_42 : i32 to vector<16xi32>
        %mul3A_44 = arith.muli %get3A_41, %mul3A_43 : vector<16xi32>
        %get3A_45 = arith.constant 32 : index
        %get3A_46 = tpu.vector_load %arg7[%get3A_45] {strides = array<i32>} : memref<160xi32, #tpu.memory_space<vmem>>, vector<16xi32>,
        %get3A_47 = vector.shape_cast %get3A_46 : vector<16xi32> to vector<16xi32>
        %add3A_48 = arith.addi %mul3A_44, %get3A_47 : vector<16xi32>
        %swap3A_49 = arith.constant 32 : index
        %swap3A_50 = tpu.vector_load %arg8[%swap3A_49] {strides = array<i32>} : memref<160xi32, #tpu.memory_space<vmem>>, vector<16xi32>,
        %swap3A_51 = vector.shape_cast %swap3A_50 : vector<16xi32> to vector<16xi32>
        %swap3A_52 = vector.shape_cast %add3A_48 : vector<16xi32> to vector<16xi32>
        tpu.vector_store %arg8[%swap3A_49], %swap3A_52 {strides = array<i32>} : memref<160xi32, #tpu.memory_space<vmem>>, vector<16xi32>,
        %get3A_53 = arith.constant 48 : index
        %get3A_54 = tpu.vector_load %arg6[%get3A_53] {strides = array<i32>} : memref<160xi32, #tpu.memory_space<vmem>>, vector<16xi32>,
        %get3A_55 = vector.shape_cast %get3A_54 : vector<16xi32> to vector<16xi32>
        %mul3A_56 = arith.constant 3 : i32
        %mul3A_57 = vector.broadcast %mul3A_56 : i32 to vector<16xi32>
        %mul3A_58 = arith.muli %get3A_55, %mul3A_57 : vector<16xi32>
        %get3A_59 = arith.constant 48 : index
        %get3A_60 = tpu.vector_load %arg7[%get3A_59] {strides = array<i32>} : memref<160xi32, #tpu.memory_space<vmem>>, vector<16xi32>,
        %get3A_61 = vector.shape_cast %get3A_60 : vector<16xi32> to vector<16xi32>
        %add3A_62 = arith.addi %mul3A_58, %get3A_61 : vector<16xi32>
        %swap3A_63 = arith.constant 48 : index
        %swap3A_64 = tpu.vector_load %arg8[%swap3A_63] {strides = array<i32>} : memref<160xi32, #tpu.memory_space<vmem>>, vector<16xi32>,
        %swap3A_65 = vector.shape_cast %swap3A_64 : vector<16xi32> to vector<16xi32>
        %swap3A_66 = vector.shape_cast %add3A_62 : vector<16xi32> to vector<16xi32>
        tpu.vector_store %arg8[%swap3A_63], %swap3A_66 {strides = array<i32>} : memref<160xi32, #tpu.memory_space<vmem>>, vector<16xi32>,
        %get3A_67 = arith.constant 64 : index
        %get3A_68 = tpu.vector_load %arg6[%get3A_67] {strides = array<i32>} : memref<160xi32, #tpu.memory_space<vmem>>, vector<16xi32>,
        %get3A_69 = vector.shape_cast %get3A_68 : vector<16xi32> to vector<16xi32>
        %mul3A_70 = arith.constant 3 : i32
        %mul3A_71 = vector.broadcast %mul3A_70 : i32 to vector<16xi32>
        %mul3A_72 = arith.muli %get3A_69, %mul3A_71 : vector<16xi32>
        %get3A_73 = arith.constant 64 : index
        %get3A_74 = tpu.vector_load %arg7[%get3A_73] {strides = array<i32>} : memref<160xi32, #tpu.memory_space<vmem>>, vector<16xi32>,
        %get3A_75 = vector.shape_cast %get3A_74 : vector<16xi32> to vector<16xi32>
        %add3A_76 = arith.addi %mul3A_72, %get3A_75 : vector<16xi32>
        %swap3A_77 = arith.constant 64 : index
        %swap3A_78 = tpu.vector_load %arg8[%swap3A_77] {strides = array<i32>} : memref<160xi32, #tpu.memory_space<vmem>>, vector<16xi32>,
        %swap3A_79 = vector.shape_cast %swap3A_78 : vector<16xi32> to vector<16xi32>
        %swap3A_80 = vector.shape_cast %add3A_76 : vector<16xi32> to vector<16xi32>
        tpu.vector_store %arg8[%swap3A_77], %swap3A_80 {strides = array<i32>} : memref<160xi32, #tpu.memory_space<vmem>>, vector<16xi32>,
        %get3A_81 = arith.constant 80 : index
        %get3A_82 = tpu.vector_load %arg6[%get3A_81] {strides = array<i32>} : memref<160xi32, #tpu.memory_space<vmem>>, vector<16xi32>,
        %get3A_83 = vector.shape_cast %get3A_82 : vector<16xi32> to vector<16xi32>
        %mul3A_84 = arith.constant 3 : i32
        %mul3A_85 = vector.broadcast %mul3A_84 : i32 to vector<16xi32>
        %mul3A_86 = arith.muli %get3A_83, %mul3A_85 : vector<16xi32>
        %get3A_87 = arith.constant 80 : index
        %get3A_88 = tpu.vector_load %arg7[%get3A_87] {strides = array<i32>} : memref<160xi32, #tpu.memory_space<vmem>>, vector<16xi32>,
        %get3A_89 = vector.shape_cast %get3A_88 : vector<16xi32> to vector<16xi32>
        %add3A_90 = arith.addi %mul3A_86, %get3A_89 : vector<16xi32>
        %swap3A_91 = arith.constant 80 : index
        %swap3A_92 = tpu.vector_load %arg8[%swap3A_91] {strides = array<i32>} : memref<160xi32, #tpu.memory_space<vmem>>, vector<16xi32>,
        %swap3A_93 = vector.shape_cast %swap3A_92 : vector<16xi32> to vector<16xi32>
        %swap3A_94 = vector.shape_cast %add3A_90 : vector<16xi32> to vector<16xi32>
        tpu.vector_store %arg8[%swap3A_91], %swap3A_94 {strides = array<i32>} : memref<160xi32, #tpu.memory_space<vmem>>, vector<16xi32>,
        %get3A_95 = arith.constant 96 : index
        %get3A_96 = tpu.vector_load %arg6[%get3A_95] {strides = array<i32>} : memref<160xi32, #tpu.memory_space<vmem>>, vector<16xi32>,
        %get3A_97 = vector.shape_cast %get3A_96 : vector<16xi32> to vector<16xi32>
        %mul3A_98 = arith.constant 3 : i32
        %mul3A_99 = vector.broadcast %mul3A_98 : i32 to vector<16xi32>
        %mul3A_100 = arith.muli %get3A_97, %mul3A_99 : vector<16xi32>
        %get3A_101 = arith.constant 96 : index
        %get3A_102 = tpu.vector_load %arg7[%get3A_101] {strides = array<i32>} : memref<160xi32, #tpu.memory_space<vmem>>, vector<16xi32>,
        %get3A_103 = vector.shape_cast %get3A_102 : vector<16xi32> to vector<16xi32>
        %add3A_104 = arith.addi %mul3A_100, %get3A_103 : vector<16xi32>
        %swap3A_105 = arith.constant 96 : index
        %swap3A_106 = tpu.vector_load %arg8[%swap3A_105] {strides = array<i32>} : memref<160xi32, #tpu.memory_space<vmem>>, vector<16xi32>,
        %swap3A_107 = vector.shape_cast %swap3A_106 : vector<16xi32> to vector<16xi32>
        %swap3A_108 = vector.shape_cast %add3A_104 : vector<16xi32> to vector<16xi32>
        tpu.vector_store %arg8[%swap3A_105], %swap3A_108 {strides = array<i32>} : memref<160xi32, #tpu.memory_space<vmem>>, vector<16xi32>,
        %get3A_109 = arith.constant 112 : index
        %get3A_110 = tpu.vector_load %arg6[%get3A_109] {strides = array<i32>} : memref<160xi32, #tpu.memory_space<vmem>>, vector<16xi32>,
        %get3A_111 = vector.shape_cast %get3A_110 : vector<16xi32> to vector<16xi32>
        %mul3A_112 = arith.constant 3 : i32
        %mul3A_113 = vector.broadcast %mul3A_112 : i32 to vector<16xi32>
        %mul3A_114 = arith.muli %get3A_111, %mul3A_113 : vector<16xi32>
        %get3A_115 = arith.constant 112 : index
        %get3A_116 = tpu.vector_load %arg7[%get3A_115] {strides = array<i32>} : memref<160xi32, #tpu.memory_space<vmem>>, vector<16xi32>,
        %get3A_117 = vector.shape_cast %get3A_116 : vector<16xi32> to vector<16xi32>
        %add3A_118 = arith.addi %mul3A_114, %get3A_117 : vector<16xi32>
        %swap3A_119 = arith.constant 112 : index
        %swap3A_120 = tpu.vector_load %arg8[%swap3A_119] {strides = array<i32>} : memref<160xi32, #tpu.memory_space<vmem>>, vector<16xi32>,
        %swap3A_121 = vector.shape_cast %swap3A_120 : vector<16xi32> to vector<16xi32>
        %swap3A_122 = vector.shape_cast %add3A_118 : vector<16xi32> to vector<16xi32>
        tpu.vector_store %arg8[%swap3A_119], %swap3A_122 {strides = array<i32>} : memref<160xi32, #tpu.memory_space<vmem>>, vector<16xi32>,
        %get3A_123 = arith.constant 128 : index
        %get3A_124 = tpu.vector_load %arg6[%get3A_123] {strides = array<i32>} : memref<160xi32, #tpu.memory_space<vmem>>, vector<16xi32>,
        %get3A_125 = vector.shape_cast %get3A_124 : vector<16xi32> to vector<16xi32>
        %mul3A_126 = arith.constant 3 : i32
        %mul3A_127 = vector.broadcast %mul3A_126 : i32 to vector<16xi32>
        %mul3A_128 = arith.muli %get3A_125, %mul3A_127 : vector<16xi32>
        %get3A_129 = arith.constant 128 : index
        %get3A_130 = tpu.vector_load %arg7[%get3A_129] {strides = array<i32>} : memref<160xi32, #tpu.memory_space<vmem>>, vector<16xi32>,
        %get3A_131 = vector.shape_cast %get3A_130 : vector<16xi32> to vector<16xi32>
        %add3A_132 = arith.addi %mul3A_128, %get3A_131 : vector<16xi32>
        %swap3A_133 = arith.constant 128 : index
        %swap3A_134 = tpu.vector_load %arg8[%swap3A_133] {strides = array<i32>} : memref<160xi32, #tpu.memory_space<vmem>>, vector<16xi32>,
        %swap3A_135 = vector.shape_cast %swap3A_134 : vector<16xi32> to vector<16xi32>
        %swap3A_136 = vector.shape_cast %add3A_132 : vector<16xi32> to vector<16xi32>
        tpu.vector_store %arg8[%swap3A_133], %swap3A_136 {strides = array<i32>} : memref<160xi32, #tpu.memory_space<vmem>>, vector<16xi32>,
        %get3A_137 = arith.constant 144 : index
        %get3A_138 = tpu.vector_load %arg6[%get3A_137] {strides = array<i32>} : memref<160xi32, #tpu.memory_space<vmem>>, vector<16xi32>,
        %get3A_139 = vector.shape_cast %get3A_138 : vector<16xi32> to vector<16xi32>
        %mul3A_140 = arith.constant 3 : i32
        %mul3A_141 = vector.broadcast %mul3A_140 : i32 to vector<16xi32>
        %mul3A_142 = arith.muli %get3A_139, %mul3A_141 : vector<16xi32>
        %get3A_143 = arith.constant 144 : index
        %get3A_144 = tpu.vector_load %arg7[%get3A_143] {strides = array<i32>} : memref<160xi32, #tpu.memory_space<vmem>>, vector<16xi32>,
        %get3A_145 = vector.shape_cast %get3A_144 : vector<16xi32> to vector<16xi32>
        %add3A_146 = arith.addi %mul3A_142, %get3A_145 : vector<16xi32>
        %swap3A_147 = arith.constant 144 : index
        %swap3A_148 = tpu.vector_load %arg8[%swap3A_147] {strides = array<i32>} : memref<160xi32, #tpu.memory_space<vmem>>, vector<16xi32>,
        %swap3A_149 = vector.shape_cast %swap3A_148 : vector<16xi32> to vector<16xi32>
        %swap3A_150 = vector.shape_cast %add3A_146 : vector<16xi32> to vector<16xi32>
        tpu.vector_store %arg8[%swap3A_147], %swap3A_150 {strides = array<i32>} : memref<160xi32, #tpu.memory_space<vmem>>, vector<16xi32>,
        %dma_start3A = arith.constant 0 : i32
        %dma_start3A_151 = arith.constant 0 : i32
        %dma_start3A_152 = tpu.memref_slice %arg2[%dma_start3A, %dma_start3A_151] : memref<256x256xf32, #tpu.memory_space<hbm>> -> memref<256x256xf32, #tpu.memory_space<hbm>>
        tpu.enqueue_indirect_dma source(%dma_start3A_152 : memref<256x256xf32, #tpu.memory_space<hbm>>) target(%arg9 : memref<160x256xf32, #tpu.memory_space<vmem>>) offsets(%arg8 : memref<160xi32, #tpu.memory_space<vmem>>) semaphore(%arg10 : memref<!tpu.dma_semaphore, #tpu.memory_space<semaphore_mem>>)
        %dma_wait3A = arith.constant 0 : i32
        %dma_wait3A_153 = arith.constant 0 : i32
        %dma_wait3A_154 = tpu.memref_slice %arg2[%dma_wait3A, %dma_wait3A_153] : memref<256x256xf32, #tpu.memory_space<hbm>> -> memref<256x256xf32, #tpu.memory_space<hbm>>
        tpu.wait_indirect_dma semaphore(%arg10 : memref<!tpu.dma_semaphore, #tpu.memory_space<semaphore_mem>>) src(%dma_wait3A_154 : memref<256x256xf32, #tpu.memory_space<hbm>>) dst(%arg9 : memref<160x256xf32, #tpu.memory_space<vmem>>)
        "tpu.region"() ({
          %run_scoped3A = tpu.sem_alloc : memref<!tpu.dma_semaphore, #tpu.memory_space<semaphore_mem>>
          %dma_start3A_155 = arith.constant 0 : i32
          %dma_start3A_156 = tpu.memref_slice %arg5[%mul3A_12, %dma_start3A_155] : memref<100000x256xf32, #tpu.memory_space<hbm>> -> memref<160x256xf32, #tpu.memory_space<hbm>>
          %dma_start3A_157 = arith.constant 0 : i32
          %dma_start3A_158 = tpu.memref_slice %arg5[%mul3A_12, %dma_start3A_157] : memref<100000x256xf32, #tpu.memory_space<hbm>> -> memref<160x256xf32, #tpu.memory_space<hbm>>
          tpu.enqueue_dma source(%arg9 : memref<160x256xf32, #tpu.memory_space<vmem>>) target(%dma_start3A_158 : memref<160x256xf32, #tpu.memory_space<hbm>>) target_semaphore(%run_scoped3A : memref<!tpu.dma_semaphore, #tpu.memory_space<semaphore_mem>>)
          %dma_wait3A_159 = arith.constant 0 : i32
          %dma_wait3A_160 = tpu.memref_slice %arg5[%mul3A_12, %dma_wait3A_159] : memref<100000x256xf32, #tpu.memory_space<hbm>> -> memref<160x256xf32, #tpu.memory_space<hbm>>
          %dma_wait3A_161 = arith.constant 0 : i32
          %dma_wait3A_162 = tpu.memref_slice %arg5[%mul3A_12, %dma_wait3A_161] : memref<100000x256xf32, #tpu.memory_space<hbm>> -> memref<160x256xf32, #tpu.memory_space<hbm>>
          tpu.wait_dma2 semaphore(%run_scoped3A : memref<!tpu.dma_semaphore, #tpu.memory_space<semaphore_mem>>) src(%arg9 : memref<160x256xf32, #tpu.memory_space<vmem>>) dst(%dma_wait3A_162 : memref<160x256xf32, #tpu.memory_space<hbm>>)
          tpu.yield
        }) : () -> ()
      } else {
      }
    }
    %scan3A_4 = arith.constant 20 : i32
    return
  }
}

module attributes {stable_mosaic.version = 14 : i64} {
  func.func @_table_body(%arg0: memref<128x256xf32, #tpu.memory_space<vmem>>, %arg1: memref<8x256xf32, #tpu.memory_space<vmem>>, %arg2: memref<256x256xf32, #tpu.memory_space<vmem>>, %arg3: memref<1x256xf32, #tpu.memory_space<vmem>>, %arg4: memref<256x256xf32, #tpu.memory_space<vmem>>, %arg5: memref<1x256xf32, #tpu.memory_space<vmem>>, %arg6: memref<256x256xf32, #tpu.memory_space<vmem>>) attributes {dimension_semantics = [], scalar_prefetch = 0 : i64, scratch_operands = 0 : i64, tpu.core_type = #tpu.core_type<tc>} {
    %iota3A = tpu.iota {dimensions = array<i32: 0>} : vector<256x1xi32>
    %jit3A = arith.constant 3 : i32
    %div3A = vector.broadcast %jit3A : i32 to vector<256x1xi32>
    %div3A_0 = arith.divsi %iota3A, %div3A : vector<256x1xi32>
    %sign3A = arith.constant 0 : i32
    %sign3A_1 = vector.broadcast %sign3A : i32 to vector<256x1xi32>
    %sign3A_2 = arith.cmpi sgt, %iota3A, %sign3A_1 : vector<256x1xi32>
    %sign3A_3 = arith.extui %sign3A_2 : vector<256x1xi1> to vector<256x1xi32>
    %sign3A_4 = arith.constant 0 : i32
    %sign3A_5 = vector.broadcast %sign3A_4 : i32 to vector<256x1xi32>
    %sign3A_6 = arith.cmpi slt, %iota3A, %sign3A_5 : vector<256x1xi32>
    %sign3A_7 = arith.extui %sign3A_6 : vector<256x1xi1> to vector<256x1xi32>
    %sign3A_8 = arith.subi %sign3A_3, %sign3A_7 : vector<256x1xi32>
    %sign3A_9 = arith.constant 0 : i32
    %sign3A_10 = arith.cmpi sgt, %jit3A, %sign3A_9 : i32
    %sign3A_11 = arith.extui %sign3A_10 : i1 to i32
    %sign3A_12 = arith.constant 0 : i32
    %sign3A_13 = arith.cmpi slt, %jit3A, %sign3A_12 : i32
    %sign3A_14 = arith.extui %sign3A_13 : i1 to i32
    %sign3A_15 = arith.subi %sign3A_11, %sign3A_14 : i32
    %ne3A = vector.broadcast %sign3A_15 : i32 to vector<256x1xi32>
    %ne3A_16 = arith.cmpi ne, %sign3A_8, %ne3A : vector<256x1xi32>
    %rem3A = vector.broadcast %jit3A : i32 to vector<256x1xi32>
    %rem3A_17 = arith.remsi %iota3A, %rem3A : vector<256x1xi32>
    %ne3A_18 = arith.constant 0 : i32
    %ne3A_19 = vector.broadcast %ne3A_18 : i32 to vector<256x1xi32>
    %ne3A_20 = arith.cmpi ne, %rem3A_17, %ne3A_19 : vector<256x1xi32>
    %and3A = arith.andi %ne3A_16, %ne3A_20 : vector<256x1xi1>
    %sub3A = arith.constant 1 : i32
    %sub3A_21 = vector.broadcast %sub3A : i32 to vector<256x1xi32>
    %sub3A_22 = arith.subi %div3A_0, %sub3A_21 : vector<256x1xi32>
    %select_n3A = arith.select %and3A, %sub3A_22, %div3A_0 : vector<256x1xi1>, vector<256x1xi32>
    %mul3A = arith.constant 3 : i32
    %mul3A_23 = vector.broadcast %mul3A : i32 to vector<256x1xi32>
    %mul3A_24 = arith.muli %mul3A_23, %select_n3A : vector<256x1xi32>
    %sub3A_25 = arith.subi %iota3A, %mul3A_24 : vector<256x1xi32>
    %iota3A_26 = tpu.iota {dimensions = array<i32: 1>} : vector<256x128xi32>
    %eq3A = vector.broadcast %select_n3A : vector<256x1xi32> to vector<256x128xi32>
    %eq3A_27 = arith.cmpi eq, %iota3A_26, %eq3A : vector<256x128xi32>
    %convert_element_type3A = arith.extui %eq3A_27 : vector<256x128xi1> to vector<256x128xi32>
    %convert_element_type3A_28 = arith.sitofp %convert_element_type3A : vector<256x128xi32> to vector<256x128xf32>
    %iota3A_29 = tpu.iota {dimensions = array<i32: 1>} : vector<256x8xi32>
    %eq3A_30 = vector.broadcast %sub3A_25 : vector<256x1xi32> to vector<256x8xi32>
    %eq3A_31 = arith.cmpi eq, %iota3A_29, %eq3A_30 : vector<256x8xi32>
    %convert_element_type3A_32 = arith.extui %eq3A_31 : vector<256x8xi1> to vector<256x8xi32>
    %convert_element_type3A_33 = arith.sitofp %convert_element_type3A_32 : vector<256x8xi32> to vector<256x8xf32>
    %get3A = arith.constant 0 : index
    %get3A_34 = arith.constant 0 : index
    %get3A_35 = vector.load %arg0[%get3A, %get3A_34] : memref<128x256xf32, #tpu.memory_space<vmem>>, vector<128x256xf32>
    %dot_general3A = arith.constant dense<0.000000e+00> : vector<256x256xf32>
    %dot_general3A_36 = tpu.matmul %convert_element_type3A_28, %get3A_35, %dot_general3A {dimension_numbers = #tpu.dot_dimension_numbers<[1], [0], [0], [1], [0, 0, 1, 1], [], []>, transpose_lhs_hint = false} : vector<256x128xf32>, vector<128x256xf32>, vector<256x256xf32> -> vector<256x256xf32>
    %get3A_37 = arith.constant 0 : index
    %get3A_38 = arith.constant 0 : index
    %get3A_39 = vector.load %arg1[%get3A_37, %get3A_38] : memref<8x256xf32, #tpu.memory_space<vmem>>, vector<8x256xf32>
    %dot_general3A_40 = arith.constant dense<0.000000e+00> : vector<256x256xf32>
    %dot_general3A_41 = tpu.matmul %convert_element_type3A_33, %get3A_39, %dot_general3A_40 {dimension_numbers = #tpu.dot_dimension_numbers<[1], [0], [0], [1], [0, 0, 1, 1], [], []>, transpose_lhs_hint = false} : vector<256x8xf32>, vector<8x256xf32>, vector<256x256xf32> -> vector<256x256xf32>
    %add3A = arith.addf %dot_general3A_36, %dot_general3A_41 : vector<256x256xf32>
    %get3A_42 = arith.constant 0 : index
    %get3A_43 = arith.constant 0 : index
    %get3A_44 = vector.load %arg2[%get3A_42, %get3A_43] : memref<256x256xf32, #tpu.memory_space<vmem>>, vector<256x256xf32>
    %dot_general3A_45 = arith.constant dense<0.000000e+00> : vector<256x256xf32>
    %dot_general3A_46 = tpu.matmul %add3A, %get3A_44, %dot_general3A_45 {dimension_numbers = #tpu.dot_dimension_numbers<[1], [0], [0], [1], [0, 0, 1, 1], [], []>, transpose_lhs_hint = false} : vector<256x256xf32>, vector<256x256xf32>, vector<256x256xf32> -> vector<256x256xf32>
    %get3A_47 = arith.constant 0 : index
    %get3A_48 = arith.constant 0 : index
    %get3A_49 = vector.load %arg3[%get3A_47, %get3A_48] : memref<1x256xf32, #tpu.memory_space<vmem>>, vector<1x256xf32>
    %add3A_50 = vector.broadcast %get3A_49 : vector<1x256xf32> to vector<256x256xf32>
    %add3A_51 = arith.addf %dot_general3A_46, %add3A_50 : vector<256x256xf32>
    %max3A = arith.constant 0.000000e+00 : f32
    %max3A_52 = vector.broadcast %max3A : f32 to vector<256x256xf32>
    %max3A_53 = arith.maximumf %add3A_51, %max3A_52 : vector<256x256xf32>
    %get3A_54 = arith.constant 0 : index
    %get3A_55 = arith.constant 0 : index
    %get3A_56 = vector.load %arg4[%get3A_54, %get3A_55] : memref<256x256xf32, #tpu.memory_space<vmem>>, vector<256x256xf32>
    %dot_general3A_57 = arith.constant dense<0.000000e+00> : vector<256x256xf32>
    %dot_general3A_58 = tpu.matmul %max3A_53, %get3A_56, %dot_general3A_57 {dimension_numbers = #tpu.dot_dimension_numbers<[1], [0], [0], [1], [0, 0, 1, 1], [], []>, transpose_lhs_hint = false} : vector<256x256xf32>, vector<256x256xf32>, vector<256x256xf32> -> vector<256x256xf32>
    %get3A_59 = arith.constant 0 : index
    %get3A_60 = arith.constant 0 : index
    %get3A_61 = vector.load %arg5[%get3A_59, %get3A_60] : memref<1x256xf32, #tpu.memory_space<vmem>>, vector<1x256xf32>
    %add3A_62 = vector.broadcast %get3A_61 : vector<1x256xf32> to vector<256x256xf32>
    %add3A_63 = arith.addf %dot_general3A_58, %add3A_62 : vector<256x256xf32>
    %max3A_64 = arith.constant 0.000000e+00 : f32
    %max3A_65 = vector.broadcast %max3A_64 : f32 to vector<256x256xf32>
    %max3A_66 = arith.maximumf %add3A_63, %max3A_65 : vector<256x256xf32>
    %swap3A = arith.constant 0 : index
    %swap3A_67 = arith.constant 0 : index
    %swap3A_68 = vector.load %arg6[%swap3A, %swap3A_67] : memref<256x256xf32, #tpu.memory_space<vmem>>, vector<256x256xf32>
    tpu.vector_store %arg6[%swap3A, %swap3A_67], %max3A_66 {strides = array<i32>} : memref<256x256xf32, #tpu.memory_space<vmem>>, vector<256x256xf32>,
    return
  }
}

module attributes {stable_mosaic.version = 14 : i64} {
  func.func @_edge_body(%arg0: i32, %arg1: memref<3x32000xf32, #tpu.memory_space<vmem>>, %arg2: memref<50x32000xf32, #tpu.memory_space<vmem>>, %arg3: memref<3x128xf32, #tpu.memory_space<vmem>>, %arg4: memref<50x128xf32, #tpu.memory_space<vmem>>, %arg5: memref<1x128xf32, #tpu.memory_space<vmem>>, %arg6: memref<128x128xf32, #tpu.memory_space<vmem>>, %arg7: memref<1x128xf32, #tpu.memory_space<vmem>>, %arg8: memref<32000x128xf32, #tpu.memory_space<vmem>>) attributes {dimension_semantics = [#tpu.dimension_semantics<arbitrary>], iteration_bounds = array<i64: 50>, scalar_prefetch = 0 : i64, scratch_operands = 0 : i64, tpu.core_type = #tpu.core_type<tc>, window_params = [{transform_indices = @transform_0, window_bounds = array<i64: 3, 32000>}, {transform_indices = @transform_1, window_bounds = array<i64: 50, 32000>}, {pipeline_mode = #tpu.pipeline_mode<synchronous>, transform_indices = @transform_2, window_bounds = array<i64: 3, 128>}, {pipeline_mode = #tpu.pipeline_mode<synchronous>, transform_indices = @transform_3, window_bounds = array<i64: 50, 128>}, {pipeline_mode = #tpu.pipeline_mode<synchronous>, transform_indices = @transform_4, window_bounds = array<i64: 1, 128>}, {pipeline_mode = #tpu.pipeline_mode<synchronous>, transform_indices = @transform_5, window_bounds = array<i64: 128, 128>}, {pipeline_mode = #tpu.pipeline_mode<synchronous>, transform_indices = @transform_6, window_bounds = array<i64: 1, 128>}, {transform_indices = @transform_7, window_bounds = array<i64: 32000, 128>}]} {
    %get3A = arith.constant 0 : index
    %get3A_0 = arith.constant 0 : index
    %get3A_1 = vector.load %arg2[%get3A, %get3A_0] : memref<50x32000xf32, #tpu.memory_space<vmem>>, vector<50x32000xf32>
    %get3A_2 = arith.constant 0 : index
    %get3A_3 = arith.constant 0 : index
    %get3A_4 = vector.load %arg1[%get3A_2, %get3A_3] : memref<3x32000xf32, #tpu.memory_space<vmem>>, vector<3x32000xf32>
    %concatenate3A = tpu.concatenate %get3A_1, %get3A_4 in 0 : vector<50x32000xf32>, vector<3x32000xf32> -> vector<53x32000xf32>
    %get3A_5 = arith.constant 0 : index
    %get3A_6 = arith.constant 0 : index
    %get3A_7 = vector.load %arg4[%get3A_5, %get3A_6] : memref<50x128xf32, #tpu.memory_space<vmem>>, vector<50x128xf32>
    %get3A_8 = arith.constant 0 : index
    %get3A_9 = arith.constant 0 : index
    %get3A_10 = vector.load %arg3[%get3A_8, %get3A_9] : memref<3x128xf32, #tpu.memory_space<vmem>>, vector<3x128xf32>
    %concatenate3A_11 = tpu.concatenate %get3A_7, %get3A_10 in 0 : vector<50x128xf32>, vector<3x128xf32> -> vector<53x128xf32>
    %dot_general3A = arith.constant dense<0.000000e+00> : vector<32000x128xf32>
    %dot_general3A_12 = tpu.matmul %concatenate3A, %concatenate3A_11, %dot_general3A {dimension_numbers = #tpu.dot_dimension_numbers<[0], [0], [1], [1], [0, 1, 1, 1], [], []>, transpose_lhs_hint = true} : vector<53x32000xf32>, vector<53x128xf32>, vector<32000x128xf32> -> vector<32000x128xf32>
    %get3A_13 = arith.constant 0 : index
    %get3A_14 = arith.constant 0 : index
    %get3A_15 = vector.load %arg5[%get3A_13, %get3A_14] : memref<1x128xf32, #tpu.memory_space<vmem>>, vector<1x128xf32>
    %add3A = vector.broadcast %get3A_15 : vector<1x128xf32> to vector<32000x128xf32>
    %add3A_16 = arith.addf %dot_general3A_12, %add3A : vector<32000x128xf32>
    %max3A = arith.constant 0.000000e+00 : f32
    %max3A_17 = vector.broadcast %max3A : f32 to vector<32000x128xf32>
    %max3A_18 = arith.maximumf %add3A_16, %max3A_17 : vector<32000x128xf32>
    %get3A_19 = arith.constant 0 : index
    %get3A_20 = arith.constant 0 : index
    %get3A_21 = vector.load %arg6[%get3A_19, %get3A_20] : memref<128x128xf32, #tpu.memory_space<vmem>>, vector<128x128xf32>
    %dot_general3A_22 = arith.constant dense<0.000000e+00> : vector<32000x128xf32>
    %dot_general3A_23 = tpu.matmul %max3A_18, %get3A_21, %dot_general3A_22 {dimension_numbers = #tpu.dot_dimension_numbers<[1], [0], [0], [1], [0, 0, 1, 1], [], []>, transpose_lhs_hint = false} : vector<32000x128xf32>, vector<128x128xf32>, vector<32000x128xf32> -> vector<32000x128xf32>
    %get3A_24 = arith.constant 0 : index
    %get3A_25 = arith.constant 0 : index
    %get3A_26 = vector.load %arg7[%get3A_24, %get3A_25] : memref<1x128xf32, #tpu.memory_space<vmem>>, vector<1x128xf32>
    %add3A_27 = vector.broadcast %get3A_26 : vector<1x128xf32> to vector<32000x128xf32>
    %add3A_28 = arith.addf %dot_general3A_23, %add3A_27 : vector<32000x128xf32>
    %max3A_29 = arith.constant 0.000000e+00 : f32
    %max3A_30 = vector.broadcast %max3A_29 : f32 to vector<32000x128xf32>
    %max3A_31 = arith.maximumf %add3A_28, %max3A_30 : vector<32000x128xf32>
    %swap3A = arith.constant 0 : index
    %swap3A_32 = arith.constant 0 : index
    %swap3A_33 = vector.load %arg8[%swap3A, %swap3A_32] : memref<32000x128xf32, #tpu.memory_space<vmem>>, vector<32000x128xf32>
    tpu.vector_store %arg8[%swap3A, %swap3A_32], %max3A_31 {strides = array<i32>} : memref<32000x128xf32, #tpu.memory_space<vmem>>, vector<32000x128xf32>,
    return
  }
  func.func @transform_0(%arg0: i32) -> (i32, i32) {
    %c0_i32 = arith.constant 0 : i32
    %c0_i32_0 = arith.constant 0 : i32
    return %c0_i32, %arg0 : i32, i32
  }
  func.func @transform_1(%arg0: i32) -> (i32, i32) {
    %c0_i32 = arith.constant 0 : i32
    %c0_i32_0 = arith.constant 0 : i32
    return %c0_i32, %arg0 : i32, i32
  }
  func.func @transform_2(%arg0: i32) -> (i32, i32) {
    %c0_i32 = arith.constant 0 : i32
    %c0_i32_0 = arith.constant 0 : i32
    %c0_i32_1 = arith.constant 0 : i32
    return %c0_i32, %c0_i32_0 : i32, i32
  }
  func.func @transform_3(%arg0: i32) -> (i32, i32) {
    %c0_i32 = arith.constant 0 : i32
    %c0_i32_0 = arith.constant 0 : i32
    %c0_i32_1 = arith.constant 0 : i32
    return %c0_i32, %c0_i32_0 : i32, i32
  }
  func.func @transform_4(%arg0: i32) -> (i32, i32) {
    %c0_i32 = arith.constant 0 : i32
    %c0_i32_0 = arith.constant 0 : i32
    %c0_i32_1 = arith.constant 0 : i32
    return %c0_i32, %c0_i32_0 : i32, i32
  }
  func.func @transform_5(%arg0: i32) -> (i32, i32) {
    %c0_i32 = arith.constant 0 : i32
    %c0_i32_0 = arith.constant 0 : i32
    %c0_i32_1 = arith.constant 0 : i32
    return %c0_i32, %c0_i32_0 : i32, i32
  }
  func.func @transform_6(%arg0: i32) -> (i32, i32) {
    %c0_i32 = arith.constant 0 : i32
    %c0_i32_0 = arith.constant 0 : i32
    %c0_i32_1 = arith.constant 0 : i32
    return %c0_i32, %c0_i32_0 : i32, i32
  }
  func.func @transform_7(%arg0: i32) -> (i32, i32) {
    %c0_i32 = arith.constant 0 : i32
    %c0_i32_0 = arith.constant 0 : i32
    return %arg0, %c0_i32 : i32, i32
  }
}

</mosaic_0001>

<sc_bundles>
// kernel: kernel.5.cloned.1.call-start
scs
__scs_entry_jumppad:
0x0: {  	(pc) =	sbr.rel $0x88, $3  }
0x1: {  	(tag) =	ssettag $0x0;
	lr =	simm.s32 $0x1  }
0x2: {  	[smem:$0x3F91] =	sst lr;
	_ =	strace $0xD0000000  }
0x3: {  	_ = 	snop  }
0x4: {  	_ = 	snop  }
0x5: {  	_ = 	snop  }
0x6: {  	_ = 	snop  }
0x7: {  	_ = 	snop  }
__scs_overlays_trampoline_lowered:
0x8: {  	[smem:$0x3FA0] =	sst s0  }
0x9: {  	[smem:$0x3FA1] =	sst s1  }
0xa: {  	[smem:$0x3FA2] =	sst s2  }
0xb: {  	[smem:$0x3FA3] =	sst s3  }
0xc: {  	[smem:$0x3FA4] =	sst s4  }
0xd: {  	[smem:$0x3FA5] =	sst s5  }
0xe: {  	[smem:$0x3FA6] =	sst s6  }
0xf: {  	[smem:$0x3FA7] =	sst s7  }
0x10: {  	[smem:$0x3FA8] =	sst s8  }
0x11: {  	[smem:$0x3FA9] =	sst s9;
	s0 =	simm.s32 @!p0 $0x0  }
0x12: {  	s1 =	sld [smem:$0x3F8F];
	s0 =	simm.s32 @p0 $0x1  }
0x13: {  	[smem:$0x3FAA] =	sst s0;
	s0 =	simm.s32 @!p1 $0x0  }
0x14: {  	s2 =	sld [smem:$0x3F8E];
	s0 =	simm.s32 @p1 $0x1  }
0x15: {  	[smem:$0x3FAB] =	sst s0;
	s0 =	simm.s32 @!p2 $0x0  }
0x16: {  	s3 =	sld [smem:$0x3FDB];
	s0 =	simm.s32 @p2 $0x1  }
0x17: {  	s4 =	simm.s32 $0x1BF5;
	[smem:$0x3FAD] =	sst s0  }
0x18: {  	s0 =	sld [smem:$0x3F90];
	_ =	swait.ge [sflag:s4], $0x0  }
0x19: {  	s7 =	sld [smem:$0x3F91]  }
0x1a: {  	s8 =	sadd.s32 $0xFFFFE003, lr  }
0x1b: {  	s9 =	sadd.s32 $0xFFFFFEF7, lr;
	s5 =	simm.s32 $0xFFFFFFFF;
	p2 =	slt.u32 s8, $0xFFFFF086  }
0x1c: {  	p1 =	slt.u32 s9, $0xF7A;
	s5 =	simm.s32 @!p2 $0x0  }
0x1d: {  	s5 =	simm.s32 @p1 $0x1;
	p0 =	seq.s32 s7, s2  }
0x1e: {  	s7 =	smul.u32 @!p0 $0xF7A, s2;
	p2 =	seq.s32 @!p0 s5, $0x0  }
0x1f: {  	s9 =	smul.u32 $0xF7A, s1;
	s8 =	simm.s32 @!p0 $0x1BF5;
	p2 =	por !p2, p0  }
0x20: {  	[sflag:s8] =	ssyncset.s32 @!p0 $0xFFFFF086;
	s6 =	sadd.s32 @!p0 s3, s7;
	s7 =	simm.s32 @!p0 $0x108  }
0x21: {  	s3 =	sadd.s32 s3, s9;
	s6 =	sadd.s32 @!p0 $0x88, s6;
	s7 =	simm.s32 @p2 $0x1082  }
0x22: {  	[simem:s7], [sflag:s8] =	dma.local @!p0 [hbm:s6], $0xF7A  }
0x23: {  	s9 =	sor.u32 $0xD0000000, s2;
	s6 =	simm.s32 $0x108;
	_ =	swait.ge @!p0 [sflag:s8], $0x0  }
0x24: {  	s3 =	sadd.s32 $0x88, s3;
	s6 =	simm.s32 @!p1 $0x1082;
	[sflag:s4] =	ssyncset.s32 $0xFFFFF086  }
0x25: {  	[simem:s6], [sflag:s4] =	dma.local [hbm:s3], $0xF7A  }
0x26: {  	[smem:$0x3F91] =	sst s1;
	(tag) =	ssettag s2;
	_ =	strace s9  }
0x27: {  	s1 =	sld [smem:$0x3FA1]  }
0x28: {  	s2 =	sld [smem:$0x3FA2]  }
0x29: {  	s4 =	sld [smem:$0x3FA4]  }
0x2a: {  	p0 =	seq.s32 s5, $0x0;
	s5 =	sld [smem:$0x3FA5]  }
0x2b: {  	s6 =	sld [smem:$0x3FA6]  }
0x2c: {  	s7 =	sld [smem:$0x3FA7]  }
0x2d: {  	s3 =	simm.s32 $0x108;
	s8 =	sld [smem:$0x3FA8]  }
0x2e: {  	s3 =	simm.s32 @!p0 $0x1082;
	s9 =	sld [smem:$0x3FA9]  }
0x2f: {  	lr =	sadd.s32 s0, s3;
	s0 =	sld [smem:$0x3FA0]  }
0x30: {  	s3 =	sld [smem:$0x3FA3]  }
0x31: {  	[smem:$0x3FAC] =	sst s10  }
0x32: {  	s10 =	sld [smem:$0x3FAA];
	_ =	sdelay $0x3  }
0x33: {  	p0 =	seq.s32 s10, $0x1;
	s10 =	sld [smem:$0x3FAC];
	_ =	sdelay $0x3  }
0x34: {  	[smem:$0x3FAC] =	sst s10  }
0x35: {  	s10 =	sld [smem:$0x3FAB];
	_ =	sdelay $0x3  }
0x36: {  	p1 =	seq.s32 s10, $0x1;
	s10 =	sld [smem:$0x3FAC];
	_ =	sdelay $0x3  }
0x37: {  	[smem:$0x3FAC] =	sst s10  }
0x38: {  	s10 =	sld [smem:$0x3FAD]  }
0x39: {  	_ = 	snop;
	(pc) =	sbr.ind lr, $3  }
0x3a: {  	_ = 	snop  }
0x3b: {  	_ = 	snop  }
0x3c: {  	p2 =	seq.s32 s10, $0x1;
	s10 =	sld [smem:$0x3FAC]  }
0x3d: {  	_ =	shalt  }
0x3e: {  	_ =	shalt  }
0x3f: {  	_ =	shalt  }
0x40: {  	_ =	shalt  }
0x41: {  	_ =	shalt  }
0x42: {  	_ =	shalt  }
0x43: {  	_ =	shalt  }
0x44: {  	_ =	shalt  }
0x45: {  	_ =	shalt  }
0x46: {  	_ =	shalt  }
0x47: {  	_ =	shalt  }
0x48: {  	_ =	shalt  }
0x49: {  	_ =	shalt  }
0x4a: {  	_ =	shalt  }
0x4b: {  	_ =	shalt  }
0x4c: {  	_ =	shalt  }
0x4d: {  	_ =	shalt  }
0x4e: {  	_ =	shalt  }
0x4f: {  	_ =	shalt  }
0x50: {  	_ =	shalt  }
0x51: {  	_ =	shalt  }
0x52: {  	_ =	shalt  }
0x53: {  	_ =	shalt  }
0x54: {  	_ =	shalt  }
0x55: {  	_ =	shalt  }
0x56: {  	_ =	shalt  }
0x57: {  	_ =	shalt  }
0x58: {  	_ =	shalt  }
0x59: {  	_ =	shalt  }
0x5a: {  	_ =	shalt  }
0x5b: {  	_ =	shalt  }
0x5c: {  	_ =	shalt  }
0x5d: {  	_ =	shalt  }
0x5e: {  	_ =	shalt  }
0x5f: {  	_ =	shalt  }
0x60: {  	_ =	shalt  }
0x61: {  	_ =	shalt  }
0x62: {  	_ =	shalt  }
0x63: {  	_ =	shalt  }
0x64: {  	_ =	shalt  }
0x65: {  	_ =	shalt  }
0x66: {  	_ =	shalt  }
0x67: {  	_ =	shalt  }
0x68: {  	_ =	shalt  }
0x69: {  	_ =	shalt  }
0x6a: {  	_ =	shalt  }
0x6b: {  	_ =	shalt  }
0x6c: {  	_ =	shalt  }
0x6d: {  	_ =	shalt  }
0x6e: {  	_ =	shalt  }
0x6f: {  	_ =	shalt  }
0x70: {  	_ =	shalt  }
0x71: {  	_ =	shalt  }
0x72: {  	_ =	shalt  }
0x73: {  	_ =	shalt  }
0x74: {  	_ =	shalt  }
0x75: {  	_ =	shalt  }
0x76: {  	_ =	shalt  }
0x77: {  	_ =	shalt  }
0x78: {  	_ =	shalt  }
0x79: {  	_ =	shalt  }
0x7a: {  	_ =	shalt  }
0x7b: {  	_ =	shalt  }
0x7c: {  	_ =	shalt  }
0x7d: {  	_ =	shalt  }
0x7e: {  	_ =	shalt  }
0x7f: {  	_ =	shalt  }
0x80: {  	_ =	shalt  }
0x81: {  	_ =	shalt  }
0x82: {  	_ =	shalt  }
0x83: {  	_ =	shalt  }
0x84: {  	_ =	shalt  }
0x85: {  	_ =	shalt  }
0x86: {  	_ =	shalt  }
0x87: {  	_ =	shalt  }
.Lfunc_end0:
.L_simem_size_0:
called_computation_lowered:
.L_overlay_start_0:
0x88: {  	s2 =	sld [smem:$0x3FD9]  }
0x89: {  	s3 =	sld [smem:$0x3FFE];
	_ =	sdelay $0x1  }
0x8a: {  	s1 =	srdreg.scid  }
0x8b: {  	s0 =	sand.u32 $0x1, s1  }
0x8c: {  	s14 =	sshll.u32 s0, $0xA;
	s2 =	sadd.s32 s3, s2  }
0x8d: {  	s2 =	sadd.s32 s2, s14  }
0x8e: {  	[smem:$0x3FB8] =	sst s2  }
0x8f: {  	_ = 	snop  }
0x90: {  	s2 =	sld [smem:$0x3FD0];
	_ =	sdelay $0x1  }
0x91: {  	s15 =	sld [smem:$0x3FC9]  }
0x92: {  	s5 =	simm.s32 $0xA;
	s6 =	simm.s32 $0x10;
	s4 =	sld [smem:$0x3FC6]  }
0x93: {  	[smem:s6], [sflag:s5] =	dma.local [hbm:s2], $0x1  }
0x94: {  	_ =	swait.eq [sflag:s5], $0x1  }
0x95: {  	[sflag:s5] =	ssyncset.done $0x0  }
0x96: {  	[sflag:s5] =	ssyncadd.s32 $0xFFFFFFFF  }
0x97: {  	s16 =	sld [smem:$0x10];
	(tm) =	ssettm $0x1  }
0x98: {  	s17 =	sld [smem:$0x3FFB];
	_ =	sdelay $0x3  }
0x99: {  	_ =	strace s17  }
0x9a: {  	s5 =	sld [smem:$0x3FFC];
	_ =	sdelay $0x3  }
0x9b: {  	_ =	strace s5  }
0x9c: {  	s5 =	sld [smem:$0x3FFD];
	_ =	sdelay $0x3  }
0x9d: {  	_ =	strace s5  }
0x9e: {  	_ =	strace $0x8FFFFFFF  }
0x9f: {  	s18 =	sld [smem:$0x3FDB];
	_ =	sdelay $0x1  }
0xa0: {  	s19 =	simm.s32 $_scs_section_size  }
0xa1: {  	s7 =	simm.s32 $_size__tile_overlayer_lowered;
	s8 =	simm.s32 $_tile_overlayer_lowered  }
0xa2: {  	s22 =	simm.s32 $0x1BFF;
	s21 =	sshll.u32 s8, $0x1;
	s5 =	sadd.s32 s19, s18  }
0xa3: {  	s9 =	simm.s32 $0x0;
	s20 =	sshll.u32 s7, $0x1;
	s7 =	sadd.s32 s21, s5  }
0xa4: {  	[timem:s9], [sflag:s22] =	dma.local [hbm:s7], s20  }
0xa5: {  	_ =	swait.ge [sflag:s22], s20  }
0xa6: {  	s6 =	ssub.s32 $0x0, s20;
	[sflag:s22] =	ssyncset.done $0x0  }
0xa7: {  	[sflag:s22] =	ssyncadd.s32 s6;
	_ =	sdelay $0x1  }
0xa8: {  	s23 =	simm.s32 $0x1B8B  }
0xa9: {  	_ =	swait.ge [sflag:s23], $0x1  }
0xaa: {  	[sflag:s23] =	ssyncset.done $0x0  }
0xab: {  	s25 =	simm.s32 $0x1B8E;
	s24 =	sld [smem:$0x3FFE];
	[sflag:s23] =	ssyncadd.s32 $0xFFFFFFFF  }
0xac: {  	s26 =	simm.s32 $execute0_lowered;
	[smem:$0x3FD2] =	sst s25  }
0xad: {  	s7 =	sshll.u32 s26, $0x1;
	_ =	strace $0x80000046;
	[dreg:$0x1] =	wrdreg $0xFFFFFFFF  }
0xae: {  	s28 =	simm.s32 $_size_execute0_lowered;
	s5 =	sadd.s32 s5, s7;
	[dreg:$0x0] =	wrdreg $0x0  }
0xaf: {  	s7 =	sshll.u32 s28, $0x1;
	[dreg:$0x2] =	wrdreg s5  }
0xb0: {  	[dreg:$0x3] =	wrdreg s7  }
0xb1: {  	[dreg:$0x4] =	wrdreg $0xC0  }
0xb2: {  	_ =	task [dreg:s9], $0x5FFFF  }
0xb3: {  	[dreg:$0x1] =	wrdreg $0xFFFFFFFF  }
0xb4: {  	[dreg:$0x0] =	wrdreg $0x60  }
0xb5: {  	[dreg:$0x2] =	wrdreg s24  }
0xb6: {  	[dreg:$0x3] =	wrdreg s15  }
0xb7: {  	[dreg:$0x4] =	wrdreg s4  }
0xb8: {  	[dreg:$0x5] =	wrdreg s16  }
0xb9: {  	[dreg:$0x6] =	wrdreg $0x9  }
0xba: {  	_ =	task.clear_ibuf [dreg:s9], $0x7FFFF;
	_ =	strace $0x90000046  }
0xbb: {  	s29 =	simm.s32 $0x9;
	_ =	strace $0x80000048  }
0xbc: {  	_ =	swait.ge [sflag:s29], $0x1  }
0xbd: {  	[sflag:s29] =	ssyncadd.s32 $0xFFFFFFFF  }
0xbe: {  	_ =	strace $0x90000048  }
0xbf: {  	_ =	sfence  }
0xc0: {  	s30 =	sld [smem:$0x0];
	_ =	sdelay $0x2  }
0xc1: {  	s31 =	sshll.u32 s1, $0xD;
	s1 =	sshrl.u32 s1, $0x2  }
0xc2: {  	s3 =	sand.u32 $0x4000, s31;
	s1 =	sadd.s32 s1, s30  }
0xc3: {  	s0 =	sor.u32 s3, s0;
	s1 =	sshll.u32 s1, $0x11  }
0xc4: {  	s0 =	sor.u32 s1, s0  }
0xc5: {  	s0 =	sadd.s32 $0x8F2B, s0  }
0xc6: {  	[sflag:s0] =	ssyncadd.remote.s32 $0x1  }
0xc7: {  	_ =	sfence.sel $0xFFFF  }
0xc8: {  	[dreg:$0x0] =	wrdreg $0xFFFFFFFF;
	(pc) =	sbr.abs _section_cstart, $3  }
0xc9: {  	[dreg:$0x1] =	wrdreg $0xFFFFFFFF  }
0xca: {  	_ =	task.clear_ibuf [dreg:s9], $0x2FFFF;
	_ =	strace $0x9FFFFFFF  }
0xcb: {  	(tm) =	ssettm $0x7FFFFFFF  }
tec
execute0_lowered:
.L_overlay_start_1:
0x0: {  	(tag) =	ssettag $0x1  }
0x1: {  	s0 =	rddreg [dreg:$0x0]  }
0x2: {  	s1 =	rddreg [dreg:$0x1]  }
0x3: {  	s4 =	rddreg [dreg:$0x2]  }
0x4: {  	s7 =	rddreg [dreg:$0x3]  }
0x5: {  	s3 =	srdreg.scid;
	s2 =	simm.s32 $0x0;
	s11 =	stileid.u32  }
0x6: {  	s13 =	simm.s32 $0x1300;
	s14 =	simm.s32 $0x1B00;
	s15 =	simm.s32 $0x2300  }
0x7: {  	s16 =	simm.s32 $0x2B00;
	s17 =	simm.s32 $0x3300;
	s18 =	simm.s32 $0x3B00  }
0x8: {  	s19 =	simm.s32 $0x4300;
	s20 =	simm.s32 $0x4B00;
	s21 =	simm.s32 $0x5300  }
0x9: {  	s28 =	simm.s32 $0x8300;
	s29 =	simm.s32 $0x8B00;
	s30 =	simm.s32 $0x9300  }
0xa: {  	s31 =	simm.s32 $0x9B00;
	s12 =	simm.s32 $0x100;
	s8 =	sand.u32 $0x1, s3  }
0xb: {  	[smem:$0x7FF] =	sst s2;
	s9 =	smul.u32 $0x28, s11;
	s3 =	sadd.s32 $0xE00, s0  }
0xc: {  	s10 =	sshll.u32 s11, $0x1;
	s24 =	smul.u32 $0x2800, s11;
	s11 =	simm.s32 $0x300  }
0xd: {  	s5 =	ssub.s32 $0x2, s8;
	_ =	strace $0x80000047;
	s23 =	smul.u32 $0x14, s8  }
0xe: {  	s25 =	smul.u32 $0x1400, s8;
	s26 =	sor.u32 s8, s10;
	s6 =	sshrl.u32 s5, $0x1  }
0xf: {  	s1 =	sadd.s32 s9, s1;
	s4 =	sadd.s32 s9, s4;
	[dreg:$0x7] =	wrdreg s26  }
0x10: {  	s9 =	simm.s32 $0x3;
	s26 =	simm.s32 $0x7B00;
	s22 =	ssub.s32 s5, s6  }
.Ltmp0:
0x11: {  	s5 =	sadd.s32 s23, s1;
	s6 =	sadd.s32 s23, s4;
	(pc) =	sbr.rel .LBB2_1-.Ltmp0, $4  }
0x12: {  	s23 =	simm.s32 $0x6300;
	s1 =	simm.s32 $0x2;
	s0 =	smax.u32 s22, $0x1  }
0x13: {  	v2 =	vlaneseq.u32;
	s22 =	simm.s32 $0x5B00;
	[dreg:$0x5] =	wrdreg s0;
	s0 =	sadd.s32 s24, s7  }
0x14: {  	vm0 =	vmmov $0xffff;
	v1 =	vshrl.u32 v2, $0x3;
	s24 =	simm.s32 $0x6B00;
	s7 =	simm.s32 $0x0;
	s0 =	sadd.s32 s25, s0  }
0x15: {  	v0 =	vand.u32 $0x7, v2;
	v2 =	vor.u32 $0x8, v2;
	v1 =	vmul.u32 $0x8, v1;
	s25 =	simm.s32 $0x7300;
	[dreg:$0x6] =	wrdreg s0;
	s0 =	simm.s32 $0x1  }
.LBB2_5:
0x16: {  	s7 =	rddreg [dreg:$0x8]  }
0x17: {  	s4 =	rddreg [dreg:$0x5];
	s7 =	sadd.s32 $0x1, s7  }
0x18: {  	p0 =	sne.s32 s7, s4  }
.Ltmp1:
0x19: {  	_ = 	snop;
	(pc) =	sbr.rel @!p0 .LBB2_6-.Ltmp1, $1  }
0x1a: {  	_ =	sdelay $0x3  }
.LBB2_1:
.Ltmp2:
0x1b: {  	(pc) =	sbr.rel .LBB2_2-.Ltmp2, $4  }
0x1c: {  	_ = 	snop  }
0x1d: {  	[dreg:$0x8] =	wrdreg s7  }
0x1e: {  	s8 =	rddreg [dreg:$0x7]  }
0x1f: {  	s7 =	rddreg [dreg:$0x6];
	s4 =	simm.s32 $0x0  }
.LBB2_4:
0x20: {  	s4 =	sadd.s32 $0x280, s4  }
0x21: {  	p0 =	sne.s32 s4, $0x3200  }
.Ltmp3:
0x22: {  	_ = 	snop;
	(pc) =	sbr.rel @!p0 .LBB2_5-.Ltmp3, $2  }
0x23: {  	_ =	sdelay $0x2  }
0x24: {  	s7 =	sadd.s32 $0x28000, s7;
	s8 =	sadd.s32 $0x20, s8  }
.LBB2_2:
0x25: {  	p0 =	sgt.u32 s8, $0x270  }
.Ltmp4:
0x26: {  	_ = 	snop;
	(pc) =	sbr.rel @p0 .LBB2_4-.Ltmp4, $1  }
0x27: {  	_ =	sdelay $0x3  }
0x28: {  	s10 =	sadd.s32 s4, s5  }
0x29: {  	[tilespmem:s2], [sflag:$0x3] =	stream.linear.gather [hbm4b:s10+s2], $0xA0, $0x38;
	[tilespmem:$0xA300] =	vst v63  }
0x2a: {  	_ =	swait.ge [sflag:s9], $0xA0  }
0x2b: {  	[sflag:s9] =	ssyncset.done $0x0  }
0x2c: {  	s10 =	sadd.s32 s4, s6;
	[sflag:s9] =	ssyncadd.s32 $0xFFFFFF60  }
0x2d: {  	[tilespmem:s12], [sflag:$0x3] =	stream.linear.gather [hbm4b:s10+s2], $0xA0, $0x38;
	[tilespmem:$0xA300] =	vst v63  }
0x2e: {  	_ =	swait.ge [sflag:s9], $0xA0  }
0x2f: {  	[sflag:s9] =	ssyncset.done $0x0  }
0x30: {  	[sflag:s9] =	ssyncadd.s32 $0xFFFFFF60  }
0x31: {  	v3 =	vld [tilespmem:$0x0]  }
0x32: {  	v4 =	vld [tilespmem:$0x100]  }
0x33: {  	v5 =	vld [tilespmem:$0x10]  }
0x34: {  	v6 =	vld [tilespmem:$0x110]  }
0x35: {  	v7 =	vld [tilespmem:$0x20]  }
0x36: {  	v8 =	vld [tilespmem:$0x120]  }
0x37: {  	v9 =	vld [tilespmem:$0x30]  }
0x38: {  	v10 =	vld [tilespmem:$0x130]  }
0x39: {  	v11 =	vld [tilespmem:$0x40]  }
0x3a: {  	v12 =	vld [tilespmem:$0x140]  }
0x3b: {  	v13 =	vld [tilespmem:$0x50]  }
0x3c: {  	v14 =	vld [tilespmem:$0x150]  }
0x3d: {  	v15 =	vld [tilespmem:$0x60]  }
0x3e: {  	v16 =	vld [tilespmem:$0x160];
	v3 =	vmul.u32 $0x3, v3  }
0x3f: {  	v17 =	vld [tilespmem:$0x70];
	v5 =	vmul.u32 $0x3, v5;
	v7 =	vmul.u32 $0x3, v7  }
0x40: {  	v42 =	vld [tilespmem:$0x90];
	v9 =	vmul.u32 $0x3, v9;
	v41 =	vmul.u32 $0x3, v11;
	v3 =	vadd.s32 v4, v3  }
0x41: {  	v36 =	vld [tilespmem:$0x170];
	v35 =	vadd.s32 v6, v5;
	v37 =	vadd.s32 v8, v7;
	[tilespmem:$0x200] =	vst v3;
	v40 =	vshll.u32 v3, $0x1  }
0x42: {  	v39 =	vld [tilespmem:$0x80];
	v38 =	vadd.s32 v10, v9;
	[tilespmem:$0x210] =	vst v35;
	v3 =	vand.u32 $0x7, v3;
	v9 =	vand.u32 $0xFFFFFFF0, v40  }
0x43: {  	v46 =	vld [tilespmem:$0x190];
	v43 =	vmul.u32 $0x3, v13;
	[tilespmem:$0x220] =	vst v37;
	v3 =	vor.u32 v3, v9  }
0x44: {  	v45 =	vld [tilespmem:$0x180];
	v44 =	vmul.u32 $0x3, v15;
	v4 =	vadd.s32 v12, v41;
	[tilespmem:$0x230] =	vst v38;
	v47 =	vperm.xlane v3, v0  }
0x45: {  	v50 =	vmul.u32 $0x3, v17;
	v53 =	vmul.u32 $0x3, v42;
	v48 =	vadd.s32 v14, v43;
	[tilespmem:$0x240] =	vst v4  }
0x46: {  	v49 =	vadd.s32 v16, v44;
	[tilespmem:$0x250] =	vst v48;
	v3 =	vperm.xlane v3, v2;
	v52 =	vadd.s32 v1, v47  }
0x47: {  	v51 =	vmul.u32 $0x3, v39;
	v5 =	vadd.s32 v36, v50;
	[tilespmem:$0x260] =	vst v49  }
0x48: {  	v54 =	vadd.s32 v46, v53;
	[tilespmem:$0x270] =	vst v5;
	v3 =	vadd.s32 v1, v3  }
0x49: {  	v4 =	vadd.s32 v45, v51;
	[tilespmem:$0x290] =	vst v54  }
0x4a: {  	[tilespmem:$0x280] =	vst v4  }
0x4b: {  	[tilespmem:s11], [sflag:$0x1] =	stream.indirect_vreg.gather [hbm4b:s3+s2], $0x80, v52, vm0, $0xb8;
	[tilespmem:$0xA300] =	vst v63  }
0x4c: {  	s10 =	simm.s32 $0xB00  }
0x4d: {  	[tilespmem:s10], [sflag:$0x1] =	stream.indirect_vreg.gather [hbm4b:s3+s2], $0x80, v3, vm0, $0xb8;
	[tilespmem:$0xA300] =	vst v63  }
0x4e: {  	v3 =	vld [tilespmem:$0x210];
	_ =	sdelay $0x4  }
0x4f: {  	v55 =	vshll.u32 v3, $0x1  }
0x50: {  	v3 =	vand.u32 $0x7, v3;
	v4 =	vand.u32 $0xFFFFFFF0, v55  }
0x51: {  	v3 =	vor.u32 v3, v4  }
0x52: {  	v4 =	vperm.xlane v3, v0;
	_ =	sdelay $0x1  }
0x53: {  	v3 =	vperm.xlane v3, v2;
	v4 =	vadd.s32 v1, v4;
	_ =	sdelay $0x1  }
0x54: {  	v3 =	vadd.s32 v1, v3;
	_ =	sdelay $0x2  }
0x55: {  	[tilespmem:s13], [sflag:$0x1] =	stream.indirect_vreg.gather [hbm4b:s3+s2], $0x80, v4, vm0, $0xb8;
	[tilespmem:$0xA300] =	vst v63  }
0x56: {  	_ = 	snop  }
0x57: {  	[tilespmem:s14], [sflag:$0x1] =	stream.indirect_vreg.gather [hbm4b:s3+s2], $0x80, v3, vm0, $0xb8;
	[tilespmem:$0xA300] =	vst v63  }
0x58: {  	v3 =	vld [tilespmem:$0x220];
	_ =	sdelay $0x4  }
0x59: {  	v56 =	vshll.u32 v3, $0x1  }
0x5a: {  	v3 =	vand.u32 $0x7, v3;
	v4 =	vand.u32 $0xFFFFFFF0, v56  }
0x5b: {  	v3 =	vor.u32 v3, v4  }
0x5c: {  	v4 =	vperm.xlane v3, v0;
	_ =	sdelay $0x1  }
0x5d: {  	v3 =	vperm.xlane v3, v2;
	v4 =	vadd.s32 v1, v4;
	_ =	sdelay $0x1  }
0x5e: {  	v3 =	vadd.s32 v1, v3;
	_ =	sdelay $0x2  }
0x5f: {  	[tilespmem:s15], [sflag:$0x1] =	stream.indirect_vreg.gather [hbm4b:s3+s2], $0x80, v4, vm0, $0xb8;
	[tilespmem:$0xA300] =	vst v63  }
0x60: {  	_ = 	snop  }
0x61: {  	[tilespmem:s16], [sflag:$0x1] =	stream.indirect_vreg.gather [hbm4b:s3+s2], $0x80, v3, vm0, $0xb8;
	[tilespmem:$0xA300] =	vst v63  }
0x62: {  	v3 =	vld [tilespmem:$0x230];
	_ =	sdelay $0x4  }
0x63: {  	v57 =	vshll.u32 v3, $0x1  }
0x64: {  	v3 =	vand.u32 $0x7, v3;
	v4 =	vand.u32 $0xFFFFFFF0, v57  }
0x65: {  	v3 =	vor.u32 v3, v4  }
0x66: {  	v4 =	vperm.xlane v3, v0;
	_ =	sdelay $0x1  }
0x67: {  	v3 =	vperm.xlane v3, v2;
	v4 =	vadd.s32 v1, v4;
	_ =	sdelay $0x1  }
0x68: {  	v3 =	vadd.s32 v1, v3;
	_ =	sdelay $0x2  }
0x69: {  	[tilespmem:s17], [sflag:$0x1] =	stream.indirect_vreg.gather [hbm4b:s3+s2], $0x80, v4, vm0, $0xb8;
	[tilespmem:$0xA300] =	vst v63  }
0x6a: {  	_ = 	snop  }
0x6b: {  	[tilespmem:s18], [sflag:$0x1] =	stream.indirect_vreg.gather [hbm4b:s3+s2], $0x80, v3, vm0, $0xb8;
	[tilespmem:$0xA300] =	vst v63  }
0x6c: {  	v3 =	vld [tilespmem:$0x240];
	_ =	sdelay $0x4  }
0x6d: {  	v58 =	vshll.u32 v3, $0x1  }
0x6e: {  	v3 =	vand.u32 $0x7, v3;
	v4 =	vand.u32 $0xFFFFFFF0, v58  }
0x6f: {  	v3 =	vor.u32 v3, v4  }
0x70: {  	v4 =	vperm.xlane v3, v0;
	_ =	sdelay $0x1  }
0x71: {  	v3 =	vperm.xlane v3, v2;
	v4 =	vadd.s32 v1, v4;
	_ =	sdelay $0x1  }
0x72: {  	v3 =	vadd.s32 v1, v3;
	_ =	sdelay $0x2  }
0x73: {  	[tilespmem:s19], [sflag:$0x1] =	stream.indirect_vreg.gather [hbm4b:s3+s2], $0x80, v4, vm0, $0xb8;
	[tilespmem:$0xA300] =	vst v63  }
0x74: {  	_ = 	snop  }
0x75: {  	[tilespmem:s20], [sflag:$0x1] =	stream.indirect_vreg.gather [hbm4b:s3+s2], $0x80, v3, vm0, $0xb8;
	[tilespmem:$0xA300] =	vst v63  }
0x76: {  	v3 =	vld [tilespmem:$0x250];
	_ =	sdelay $0x4  }
0x77: {  	v59 =	vshll.u32 v3, $0x1  }
0x78: {  	v3 =	vand.u32 $0x7, v3;
	v4 =	vand.u32 $0xFFFFFFF0, v59  }
0x79: {  	v3 =	vor.u32 v3, v4  }
0x7a: {  	v4 =	vperm.xlane v3, v0;
	_ =	sdelay $0x1  }
0x7b: {  	v3 =	vperm.xlane v3, v2;
	v4 =	vadd.s32 v1, v4;
	_ =	sdelay $0x1  }
0x7c: {  	v3 =	vadd.s32 v1, v3;
	_ =	sdelay $0x2  }
0x7d: {  	[tilespmem:s21], [sflag:$0x1] =	stream.indirect_vreg.gather [hbm4b:s3+s2], $0x80, v4, vm0, $0xb8;
	[tilespmem:$0xA300] =	vst v63  }
0x7e: {  	_ = 	snop  }
0x7f: {  	[tilespmem:s22], [sflag:$0x1] =	stream.indirect_vreg.gather [hbm4b:s3+s2], $0x80, v3, vm0, $0xb8;
	[tilespmem:$0xA300] =	vst v63  }
0x80: {  	v3 =	vld [tilespmem:$0x260];
	_ =	sdelay $0x4  }
0x81: {  	v60 =	vshll.u32 v3, $0x1  }
0x82: {  	v3 =	vand.u32 $0x7, v3;
	v4 =	vand.u32 $0xFFFFFFF0, v60  }
0x83: {  	v3 =	vor.u32 v3, v4  }
0x84: {  	v4 =	vperm.xlane v3, v0;
	_ =	sdelay $0x1  }
0x85: {  	v3 =	vperm.xlane v3, v2;
	v4 =	vadd.s32 v1, v4;
	_ =	sdelay $0x1  }
0x86: {  	v3 =	vadd.s32 v1, v3;
	_ =	sdelay $0x2  }
0x87: {  	[tilespmem:s23], [sflag:$0x1] =	stream.indirect_vreg.gather [hbm4b:s3+s2], $0x80, v4, vm0, $0xb8;
	[tilespmem:$0xA300] =	vst v63  }
0x88: {  	_ = 	snop  }
0x89: {  	[tilespmem:s24], [sflag:$0x1] =	stream.indirect_vreg.gather [hbm4b:s3+s2], $0x80, v3, vm0, $0xb8;
	[tilespmem:$0xA300] =	vst v63  }
0x8a: {  	v3 =	vld [tilespmem:$0x270];
	_ =	sdelay $0x4  }
0x8b: {  	v61 =	vshll.u32 v3, $0x1  }
0x8c: {  	v3 =	vand.u32 $0x7, v3;
	v4 =	vand.u32 $0xFFFFFFF0, v61  }
0x8d: {  	v3 =	vor.u32 v3, v4  }
0x8e: {  	v4 =	vperm.xlane v3, v0;
	_ =	sdelay $0x1  }
0x8f: {  	v3 =	vperm.xlane v3, v2;
	v4 =	vadd.s32 v1, v4;
	_ =	sdelay $0x1  }
0x90: {  	v3 =	vadd.s32 v1, v3;
	_ =	sdelay $0x2  }
0x91: {  	[tilespmem:s25], [sflag:$0x1] =	stream.indirect_vreg.gather [hbm4b:s3+s2], $0x80, v4, vm0, $0xb8;
	[tilespmem:$0xA300] =	vst v63  }
0x92: {  	_ = 	snop  }
0x93: {  	[tilespmem:s26], [sflag:$0x1] =	stream.indirect_vreg.gather [hbm4b:s3+s2], $0x80, v3, vm0, $0xb8;
	[tilespmem:$0xA300] =	vst v63  }
0x94: {  	v3 =	vld [tilespmem:$0x280];
	_ =	sdelay $0x4  }
0x95: {  	v62 =	vshll.u32 v3, $0x1  }
0x96: {  	v3 =	vand.u32 $0x7, v3;
	v4 =	vand.u32 $0xFFFFFFF0, v62  }
0x97: {  	v3 =	vor.u32 v3, v4  }
0x98: {  	v4 =	vperm.xlane v3, v0;
	_ =	sdelay $0x1  }
0x99: {  	v3 =	vperm.xlane v3, v2;
	v4 =	vadd.s32 v1, v4;
	_ =	sdelay $0x1  }
0x9a: {  	v3 =	vadd.s32 v1, v3;
	_ =	sdelay $0x2  }
0x9b: {  	[tilespmem:s28], [sflag:$0x1] =	stream.indirect_vreg.gather [hbm4b:s3+s2], $0x80, v4, vm0, $0xb8;
	[tilespmem:$0xA300] =	vst v63  }
0x9c: {  	_ = 	snop  }
0x9d: {  	[tilespmem:s29], [sflag:$0x1] =	stream.indirect_vreg.gather [hbm4b:s3+s2], $0x80, v3, vm0, $0xb8;
	[tilespmem:$0xA300] =	vst v63  }
0x9e: {  	v3 =	vld [tilespmem:$0x290];
	_ =	sdelay $0x4  }
0x9f: {  	v63 =	vshll.u32 v3, $0x1  }
0xa0: {  	v3 =	vand.u32 $0x7, v3;
	v4 =	vand.u32 $0xFFFFFFF0, v63  }
0xa1: {  	v3 =	vor.u32 v3, v4  }
0xa2: {  	v4 =	vperm.xlane v3, v0;
	_ =	sdelay $0x1  }
0xa3: {  	v3 =	vperm.xlane v3, v2;
	v4 =	vadd.s32 v1, v4;
	_ =	sdelay $0x1  }
0xa4: {  	v3 =	vadd.s32 v1, v3;
	_ =	sdelay $0x2  }
0xa5: {  	[tilespmem:s30], [sflag:$0x1] =	stream.indirect_vreg.gather [hbm4b:s3+s2], $0x80, v4, vm0, $0xb8;
	[tilespmem:$0xA300] =	vst v63  }
0xa6: {  	_ = 	snop  }
0xa7: {  	[tilespmem:s31], [sflag:$0x1] =	stream.indirect_vreg.gather [hbm4b:s3+s2], $0x80, v3, vm0, $0xb8;
	[tilespmem:$0xA300] =	vst v63  }
0xa8: {  	_ =	swait.ge [sflag:s0], $0xA000  }
0xa9: {  	[sflag:s0] =	ssyncset.done $0x0  }
.Ltmp5:
0xaa: {  	[sflag:s0] =	ssyncadd.s32 $0xFFFF6000;
	(pc) =	sbr.rel .LBB2_4-.Ltmp5, $4  }
0xab: {  	[hbm4b:s7+s2] =	stream.linear.scatter [tilespmem:s11], [sflag:$0x2], $0xA000, $0x38;
	[tilespmem:$0xA300] =	vst v63  }
0xac: {  	_ =	swait.ge [sflag:s1], $0xA000  }
0xad: {  	[sflag:s1] =	ssyncset.done $0x0  }
0xae: {  	[sflag:s1] =	ssyncadd.s32 $0xFFFF6000  }
.LBB2_6:
0xaf: {  	_ =	sfence.sel $0x180000  }
0xb0: {  	[bflag:$0x0] =	sbarrier.arrive $0xFFFF  }
0xb1: {  	_ =	strace $0x90000047  }
0xb2: {  	s0 =	stileid.u32;
	[bflag:$0x2] =	sbarrier.arrive $0xFFFF  }
0xb3: {  	p0 =	sne.s32 s0, $0x0;
	s0 =	rddreg [dreg:$0x4]  }
0xb4: {  	s0 =	sadd.s32 @!p0 $0x100000, s0  }
0xb5: {  	[sflag:s0] =	ssyncadd.tile.s32 @!p0 $0x1;
	_ =	shalt  }
.Lfunc_end2:
_tile_overlayer_lowered:
.L_overlay_start_2:
0xb6: {  	(tag) =	ssettag $0x2  }
0xb7: {  	s0 =	rddreg [dreg:$0x0];
	s2 =	stileid.u32  }
0xb8: {  	s1 =	rddreg [dreg:$0x1];
	p0 =	sne.s32 s2, $0x0  }
0xb9: {  	s3 =	rddreg [dreg:$0x2];
	[bflag:$0x3] =	sbarrier.arrive $0xFFFF;
	s2 =	simm.s32 @!p0 $0x1C02  }
0xba: {  	[timem:s3], [sflag:s2] =	dma.local @!p0 [hbm:s0], s1  }
0xbb: {  	s0 =	simm.s32 @!p0 $0x2  }
0xbc: {  	_ =	swait.ge @!p0 [sflag:s0], s1  }
0xbd: {  	s1 =	ssub.s32 @!p0 $0x0, s1;
	[sflag:s0] =	ssyncset.done @!p0 $0x0  }
0xbe: {  	[sflag:s0] =	ssyncadd.s32 @!p0 s1  }
0xbf: {  	[bflag:$0x3] =	sbarrier.arrive $0xFFFF  }
0xc0: {  	_ =	shalt  }

</sc_bundles>
